<compile_context>
chip_gen: v7x
topology: tpu7x:2x2x1
jax: 0.10.2.dev20260603
libtpu: 0.0.44.dev20260713+nightly
codegen_flags: <defaults>
</compile_context>

<pallas_src>
import functools

import jax
import jax.numpy as jnp
from jax import lax
from jax.experimental import pallas as pl
from jax.experimental.pallas import tpu as pltpu
from jax.experimental.pallas import tpu_sc as plsc

C_IN = 256
C_OUT = 128
H = 512
W = 512
NC = 2
NS = 16
NW = NC * NS
P = C_OUT // NW
RB = 64
NR = H // RB
NITER = P * NR
NBUF = 3


def _sc_gather(model, cm2):
    mesh = plsc.VectorSubcoreMesh(core_axis_name="c", subcore_axis_name="s")

    @functools.partial(
        pl.kernel,
        mesh=mesh,
        out_type=jax.ShapeDtypeStruct((C_OUT, H, W), jnp.float32),
        scratch_types=[
            pltpu.VMEM((P, 1), jnp.int32),
            pltpu.VMEM((NBUF, 1, RB, W), jnp.float32),
            pltpu.SemaphoreType.DMA,
            pltpu.SemaphoreType.DMA,
        ],
    )
    def k(m_hbm, cm_hbm, out_hbm, idx_v, buf, gsem, wsem):
        wid = lax.axis_index("s") * NC + lax.axis_index("c")
        pbase = wid * P
        pltpu.sync_copy(cm_hbm.at[pl.ds(pbase, P)], idx_v)

        def start_gather(t, slot):
            j = lax.div(t, NR)
            r = lax.rem(t, NR)
            pltpu.async_copy(
                m_hbm.at[idx_v.at[j], pl.ds(r * RB, RB)],
                buf.at[slot],
                gsem,
            )

        for b in range(NBUF - 1):
            start_gather(b, b)

        def body(t, carry):
            slot = lax.rem(t, NBUF)
            j = lax.div(t, NR)
            r = lax.rem(t, NR)
            pltpu.make_async_copy(
                m_hbm.at[idx_v.at[0], pl.ds(0, RB)], buf.at[0], gsem
            ).wait()
            pltpu.async_copy(
                buf.at[slot],
                out_hbm.at[pl.ds(pbase + j, 1), pl.ds(r * RB, RB)],
                wsem,
            )

            @pl.when(t >= 1)
            def _():
                pltpu.make_async_copy(
                    buf.at[0], out_hbm.at[pl.ds(pbase, 1), pl.ds(0, RB)],
                    wsem,
                ).wait()

            @pl.when(t + NBUF - 1 < NITER)
            def _():
                start_gather(t + NBUF - 1, lax.rem(t + NBUF - 1, NBUF))

            return carry

        lax.fori_loop(0, NITER, body, 0)
        pltpu.make_async_copy(
            buf.at[0], out_hbm.at[pl.ds(pbase, 1), pl.ds(0, RB)], wsem
        ).wait()

    return k(model, cm2)


def kernel(model, channel_map):
    cm2 = channel_map.reshape(C_OUT, 1)
    return _sc_gather(model, cm2)

# --- scband reference (transcript-rebuilt; emitter-appended) ---
"""Pipeline reference for scband-channel-renderer-59184649339615 (READ-ONLY COPY).

The authoritative reference and input builder live on the scoring server;
editing this copy changes nothing except your own understanding.
"""

import jax, jax.numpy as jnp
import numpy as np


def setup_inputs(seed: int = 0) -> dict:
    key = jax.random.key(seed)
    # Hyperspectral model cube: [C_model, H, W]
    model = jax.random.normal(key, (256, 512, 512), dtype=jnp.float32)
    # channel_map built exactly as ChannelRenderer.__init__ would:
    # obs_frame.channels = [0, 2, 4, ..., 254] looked up in model_frame.channels = [0..255]
    # -> index list [0, 2, ..., 254]; max+1-min = 255 != 128 so it stays a list (gather path).
    channel_map = jnp.arange(0, 256, 2, dtype=jnp.int32)
    return {"model": model, "channel_map": channel_map}


def reference(model, channel_map):
    # ChannelRenderer.__call__ with channel_map as a list of indices:
    #   return model[self.channel_map, :, :]
    return jnp.take(model, channel_map, axis=0)

if __name__ == "__main__":
    import jax
    _d = setup_inputs()
    print(jax.jit(kernel)(*tuple(_d.values())))

</pallas_src>

<mosaic_0001>
#map = affine_map<(d0, d1) -> (0, 0, 0)>
#map1 = affine_map<(d0, d1) -> (0, 0)>
module attributes {stable_mosaic.version = 14 : i64} {
  func.func @k(%arg0: i32, %arg1: i32, %arg2: memref<256x512x512xf32, #tpu.memory_space<hbm>>, %arg3: memref<128x1xi32, #tpu.memory_space<hbm>>, %arg4: memref<128x512x512xf32, #tpu.memory_space<hbm>>, %arg5: memref<4x1xi32, #tpu.memory_space<vmem>>, %arg6: memref<3x1x64x512xf32, #tpu.memory_space<vmem>>, %arg7: memref<!tpu.dma_semaphore, #tpu.memory_space<semaphore_mem>>, %arg8: memref<!tpu.dma_semaphore, #tpu.memory_space<semaphore_mem>>) attributes {dimension_semantics = [#tpu.dimension_semantics<core_parallel>, #tpu.dimension_semantics<subcore_parallel>], iteration_bounds = array<i64: 2, 16>, scalar_prefetch = 0 : i64, scratch_operands = 4 : i64, tpu.core_type = #tpu.core_type<sc_vector_subcore>, window_params = [{transform_indices = #map}, {transform_indices = #map1}, {transform_indices = #map}]} {
    %mul3A = arith.constant 2 : i32
    %mul3A_0 = arith.muli %arg1, %mul3A : i32
    %add3A = arith.addi %mul3A_0, %arg0 : i32
    %mul3A_1 = arith.constant 4 : i32
    %mul3A_2 = arith.muli %add3A, %mul3A_1 : i32
    "tpu.region"() ({
      %run_scoped3A = tpu.sem_alloc : memref<!tpu.dma_semaphore, #tpu.memory_space<semaphore_mem>>
      %dma_start3A_61 = arith.constant 0 : i32
      %dma_start3A_62 = tpu.memref_slice %arg3[%mul3A_2, %dma_start3A_61] : memref<128x1xi32, #tpu.memory_space<hbm>> -> memref<4x1xi32, #tpu.memory_space<hbm>>
      %dma_start3A_63 = arith.constant 0 : i32
      %dma_start3A_64 = tpu.memref_slice %arg3[%mul3A_2, %dma_start3A_63] : memref<128x1xi32, #tpu.memory_space<hbm>> -> memref<4x1xi32, #tpu.memory_space<hbm>>
      tpu.enqueue_dma source(%dma_start3A_64 : memref<4x1xi32, #tpu.memory_space<hbm>>) target(%arg5 : memref<4x1xi32, #tpu.memory_space<vmem>>) target_semaphore(%run_scoped3A : memref<!tpu.dma_semaphore, #tpu.memory_space<semaphore_mem>>)
      %dma_wait3A_65 = arith.constant 0 : i32
      %dma_wait3A_66 = tpu.memref_slice %arg3[%mul3A_2, %dma_wait3A_65] : memref<128x1xi32, #tpu.memory_space<hbm>> -> memref<4x1xi32, #tpu.memory_space<hbm>>
      %dma_wait3A_67 = arith.constant 0 : i32
      %dma_wait3A_68 = tpu.memref_slice %arg3[%mul3A_2, %dma_wait3A_67] : memref<128x1xi32, #tpu.memory_space<hbm>> -> memref<4x1xi32, #tpu.memory_space<hbm>>
      tpu.wait_dma2 semaphore(%run_scoped3A : memref<!tpu.dma_semaphore, #tpu.memory_space<semaphore_mem>>) src(%dma_wait3A_68 : memref<4x1xi32, #tpu.memory_space<hbm>>) dst(%arg5 : memref<4x1xi32, #tpu.memory_space<vmem>>)
      tpu.yield
    }) : () -> ()
    %div3A = arith.constant 0 : i32
    %div3A_3 = arith.constant 8 : i32
    %div3A_4 = arith.divsi %div3A, %div3A_3 : i32
    %rem3A = arith.constant 0 : i32
    %rem3A_5 = arith.constant 8 : i32
    %rem3A_6 = arith.remsi %rem3A, %rem3A_5 : i32
    %mul3A_7 = arith.constant 64 : i32
    %mul3A_8 = arith.muli %rem3A_6, %mul3A_7 : i32
    %dma_start3A = arith.constant 0 : i32
    %dma_start3A_9 = arith.constant 0 : i32
    %dma_start3A_10 = arith.constant 0 : i32
    %dma_start3A_11 = arith.constant 0 : i32
    %dma_start3A_12 = tpu.memref_slice %arg6[%dma_start3A, %dma_start3A_9, %dma_start3A_10, %dma_start3A_11] : memref<3x1x64x512xf32, #tpu.memory_space<vmem>> -> memref<1x1x64x512xf32, #tpu.memory_space<vmem>>
    %dma_start3A_13 = tpu.memref_squeeze %dma_start3A_12 : memref<1x1x64x512xf32, #tpu.memory_space<vmem>> -> memref<1x64x512xf32, #tpu.memory_space<vmem>>
    %dma_start3A_14 = arith.constant 0 : i32
    %dma_start3A_15 = tpu.memref_slice %arg5[%div3A_4, %dma_start3A_14] : memref<4x1xi32, #tpu.memory_space<vmem>> -> memref<1x1xi32, #tpu.memory_space<vmem>>
    %dma_start3A_16 = tpu.memref_squeeze %dma_start3A_15 : memref<1x1xi32, #tpu.memory_space<vmem>> -> memref<1xi32, #tpu.memory_space<vmem>>
    %dma_start3A_17 = arith.constant 0 : i32
    %dma_start3A_18 = arith.constant 0 : i32
    %dma_start3A_19 = tpu.memref_slice %arg2[%dma_start3A_17, %mul3A_8, %dma_start3A_18] : memref<256x512x512xf32, #tpu.memory_space<hbm>> -> memref<256x64x512xf32, #tpu.memory_space<hbm>>
    tpu.enqueue_indirect_dma source(%dma_start3A_19 : memref<256x64x512xf32, #tpu.memory_space<hbm>>) target(%dma_start3A_13 : memref<1x64x512xf32, #tpu.memory_space<vmem>>) offsets(%dma_start3A_16 : memref<1xi32, #tpu.memory_space<vmem>>) semaphore(%arg7 : memref<!tpu.dma_semaphore, #tpu.memory_space<semaphore_mem>>)
    %div3A_20 = arith.constant 1 : i32
    %div3A_21 = arith.constant 8 : i32
    %div3A_22 = arith.divsi %div3A_20, %div3A_21 : i32
    %rem3A_23 = arith.constant 1 : i32
    %rem3A_24 = arith.constant 8 : i32
    %rem3A_25 = arith.remsi %rem3A_23, %rem3A_24 : i32
    %mul3A_26 = arith.constant 64 : i32
    %mul3A_27 = arith.muli %rem3A_25, %mul3A_26 : i32
    %dma_start3A_28 = arith.constant 1 : i32
    %dma_start3A_29 = arith.constant 0 : i32
    %dma_start3A_30 = arith.constant 0 : i32
    %dma_start3A_31 = arith.constant 0 : i32
    %dma_start3A_32 = tpu.memref_slice %arg6[%dma_start3A_28, %dma_start3A_29, %dma_start3A_30, %dma_start3A_31] : memref<3x1x64x512xf32, #tpu.memory_space<vmem>> -> memref<1x1x64x512xf32, #tpu.memory_space<vmem>>
    %dma_start3A_33 = tpu.memref_squeeze %dma_start3A_32 : memref<1x1x64x512xf32, #tpu.memory_space<vmem>> -> memref<1x64x512xf32, #tpu.memory_space<vmem>>
    %dma_start3A_34 = arith.constant 0 : i32
    %dma_start3A_35 = tpu.memref_slice %arg5[%div3A_22, %dma_start3A_34] : memref<4x1xi32, #tpu.memory_space<vmem>> -> memref<1x1xi32, #tpu.memory_space<vmem>>
    %dma_start3A_36 = tpu.memref_squeeze %dma_start3A_35 : memref<1x1xi32, #tpu.memory_space<vmem>> -> memref<1xi32, #tpu.memory_space<vmem>>
    %dma_start3A_37 = arith.constant 0 : i32
    %dma_start3A_38 = arith.constant 0 : i32
    %dma_start3A_39 = tpu.memref_slice %arg2[%dma_start3A_37, %mul3A_27, %dma_start3A_38] : memref<256x512x512xf32, #tpu.memory_space<hbm>> -> memref<256x64x512xf32, #tpu.memory_space<hbm>>
    tpu.enqueue_indirect_dma source(%dma_start3A_39 : memref<256x64x512xf32, #tpu.memory_space<hbm>>) target(%dma_start3A_33 : memref<1x64x512xf32, #tpu.memory_space<vmem>>) offsets(%dma_start3A_36 : memref<1xi32, #tpu.memory_space<vmem>>) semaphore(%arg7 : memref<!tpu.dma_semaphore, #tpu.memory_space<semaphore_mem>>)
    %scan3A = arith.constant 0 : i32
    %scan3A_40 = arith.constant 0 : i32
    %scan3A_41 = arith.constant 32 : i32
    %scan3A_42 = arith.addi %scan3A_40, %scan3A_41 : i32
    %scan3A_43 = arith.constant 1 : i32
    scf.for %scan3A_61 = %scan3A_40 to %scan3A_42 step %scan3A_43  : i32 {
      %rem3A_62 = arith.constant 3 : i32
      %rem3A_63 = arith.remsi %scan3A_61, %rem3A_62 : i32
      %div3A_64 = arith.constant 8 : i32
      %div3A_65 = arith.divsi %scan3A_61, %div3A_64 : i32
      %rem3A_66 = arith.constant 8 : i32
      %rem3A_67 = arith.remsi %scan3A_61, %rem3A_66 : i32
      %dma_wait3A_68 = arith.constant 0 : i32
      %dma_wait3A_69 = arith.constant 0 : i32
      %dma_wait3A_70 = arith.constant 0 : i32
      %dma_wait3A_71 = arith.constant 0 : i32
      %dma_wait3A_72 = arith.constant 0 : i32
      %dma_wait3A_73 = tpu.memref_slice %arg6[%dma_wait3A_69, %dma_wait3A_70, %dma_wait3A_71, %dma_wait3A_72] : memref<3x1x64x512xf32, #tpu.memory_space<vmem>> -> memref<1x1x64x512xf32, #tpu.memory_space<vmem>>
      %dma_wait3A_74 = tpu.memref_squeeze %dma_wait3A_73 : memref<1x1x64x512xf32, #tpu.memory_space<vmem>> -> memref<1x64x512xf32, #tpu.memory_space<vmem>>
      %dma_wait3A_75 = arith.constant 0 : i32
      %dma_wait3A_76 = tpu.memref_slice %arg5[%dma_wait3A_68, %dma_wait3A_75] : memref<4x1xi32, #tpu.memory_space<vmem>> -> memref<1x1xi32, #tpu.memory_space<vmem>>
      %dma_wait3A_77 = tpu.memref_squeeze %dma_wait3A_76 : memref<1x1xi32, #tpu.memory_space<vmem>> -> memref<1xi32, #tpu.memory_space<vmem>>
      %dma_wait3A_78 = arith.constant 0 : i32
      %dma_wait3A_79 = arith.constant 0 : i32
      %dma_wait3A_80 = arith.constant 0 : i32
      %dma_wait3A_81 = tpu.memref_slice %arg2[%dma_wait3A_78, %dma_wait3A_79, %dma_wait3A_80] : memref<256x512x512xf32, #tpu.memory_space<hbm>> -> memref<256x64x512xf32, #tpu.memory_space<hbm>>
      tpu.wait_indirect_dma semaphore(%arg7 : memref<!tpu.dma_semaphore, #tpu.memory_space<semaphore_mem>>) src(%dma_wait3A_81 : memref<256x64x512xf32, #tpu.memory_space<hbm>>) dst(%dma_wait3A_74 : memref<1x64x512xf32, #tpu.memory_space<vmem>>)
      %add3A_82 = arith.addi %mul3A_2, %div3A_65 : i32
      %mul3A_83 = arith.constant 64 : i32
      %mul3A_84 = arith.muli %rem3A_67, %mul3A_83 : i32
      %dma_start3A_85 = arith.constant 0 : i32
      %dma_start3A_86 = arith.constant 0 : i32
      %dma_start3A_87 = arith.constant 0 : i32
      %dma_start3A_88 = tpu.memref_slice %arg6[%rem3A_63, %dma_start3A_85, %dma_start3A_86, %dma_start3A_87] : memref<3x1x64x512xf32, #tpu.memory_space<vmem>> -> memref<1x1x64x512xf32, #tpu.memory_space<vmem>>
      %dma_start3A_89 = tpu.memref_squeeze %dma_start3A_88 : memref<1x1x64x512xf32, #tpu.memory_space<vmem>> -> memref<1x64x512xf32, #tpu.memory_space<vmem>>
      %dma_start3A_90 = arith.constant 0 : i32
      %dma_start3A_91 = tpu.memref_slice %arg4[%add3A_82, %mul3A_84, %dma_start3A_90] : memref<128x512x512xf32, #tpu.memory_space<hbm>> -> memref<1x64x512xf32, #tpu.memory_space<hbm>>
      %dma_start3A_92 = arith.constant 0 : i32
      %dma_start3A_93 = tpu.memref_slice %arg4[%add3A_82, %mul3A_84, %dma_start3A_92] : memref<128x512x512xf32, #tpu.memory_space<hbm>> -> memref<1x64x512xf32, #tpu.memory_space<hbm>>
      %dma_start3A_94 = arith.constant 0 : i32
      %dma_start3A_95 = arith.constant 0 : i32
      %dma_start3A_96 = arith.constant 0 : i32
      %dma_start3A_97 = tpu.memref_slice %arg6[%rem3A_63, %dma_start3A_94, %dma_start3A_95, %dma_start3A_96] : memref<3x1x64x512xf32, #tpu.memory_space<vmem>> -> memref<1x1x64x512xf32, #tpu.memory_space<vmem>>
      %dma_start3A_98 = tpu.memref_squeeze %dma_start3A_97 : memref<1x1x64x512xf32, #tpu.memory_space<vmem>> -> memref<1x64x512xf32, #tpu.memory_space<vmem>>
      tpu.enqueue_dma source(%dma_start3A_98 : memref<1x64x512xf32, #tpu.memory_space<vmem>>) target(%dma_start3A_93 : memref<1x64x512xf32, #tpu.memory_space<hbm>>) target_semaphore(%arg8 : memref<!tpu.dma_semaphore, #tpu.memory_space<semaphore_mem>>)
      %ge3A = arith.constant 1 : i32
      %ge3A_99 = arith.cmpi sge, %scan3A_61, %ge3A : i32
      %convert_element_type3A = arith.extui %ge3A_99 : i1 to i32
      %cond3A = arith.constant 0 : i32
      %cond3A_100 = arith.cmpi ne, %convert_element_type3A, %cond3A : i32
      scf.if %cond3A_100 {
        %dma_wait3A_108 = arith.constant 0 : i32
        %dma_wait3A_109 = arith.constant 0 : i32
        %dma_wait3A_110 = arith.constant 0 : i32
        %dma_wait3A_111 = arith.constant 0 : i32
        %dma_wait3A_112 = tpu.memref_slice %arg6[%dma_wait3A_108, %dma_wait3A_109, %dma_wait3A_110, %dma_wait3A_111] : memref<3x1x64x512xf32, #tpu.memory_space<vmem>> -> memref<1x1x64x512xf32, #tpu.memory_space<vmem>>
        %dma_wait3A_113 = tpu.memref_squeeze %dma_wait3A_112 : memref<1x1x64x512xf32, #tpu.memory_space<vmem>> -> memref<1x64x512xf32, #tpu.memory_space<vmem>>
        %dma_wait3A_114 = arith.constant 0 : i32
        %dma_wait3A_115 = arith.constant 0 : i32
        %dma_wait3A_116 = tpu.memref_slice %arg4[%mul3A_2, %dma_wait3A_114, %dma_wait3A_115] : memref<128x512x512xf32, #tpu.memory_space<hbm>> -> memref<1x64x512xf32, #tpu.memory_space<hbm>>
        %dma_wait3A_117 = arith.constant 0 : i32
        %dma_wait3A_118 = arith.constant 0 : i32
        %dma_wait3A_119 = tpu.memref_slice %arg4[%mul3A_2, %dma_wait3A_117, %dma_wait3A_118] : memref<128x512x512xf32, #tpu.memory_space<hbm>> -> memref<1x64x512xf32, #tpu.memory_space<hbm>>
        %dma_wait3A_120 = arith.constant 0 : i32
        %dma_wait3A_121 = arith.constant 0 : i32
        %dma_wait3A_122 = arith.constant 0 : i32
        %dma_wait3A_123 = tpu.memref_slice %arg6[%dma_wait3A_108, %dma_wait3A_120, %dma_wait3A_121, %dma_wait3A_122] : memref<3x1x64x512xf32, #tpu.memory_space<vmem>> -> memref<1x1x64x512xf32, #tpu.memory_space<vmem>>
        %dma_wait3A_124 = tpu.memref_squeeze %dma_wait3A_123 : memref<1x1x64x512xf32, #tpu.memory_space<vmem>> -> memref<1x64x512xf32, #tpu.memory_space<vmem>>
        tpu.wait_dma2 semaphore(%arg8 : memref<!tpu.dma_semaphore, #tpu.memory_space<semaphore_mem>>) src(%dma_wait3A_124 : memref<1x64x512xf32, #tpu.memory_space<vmem>>) dst(%dma_wait3A_119 : memref<1x64x512xf32, #tpu.memory_space<hbm>>)
      } else {
      }
      %add3A_101 = arith.constant 3 : i32
      %add3A_102 = arith.addi %scan3A_61, %add3A_101 : i32
      %sub3A = arith.constant 1 : i32
      %sub3A_103 = arith.subi %add3A_102, %sub3A : i32
      %lt3A = arith.constant 32 : i32
      %lt3A_104 = arith.cmpi slt, %sub3A_103, %lt3A : i32
      %convert_element_type3A_105 = arith.extui %lt3A_104 : i1 to i32
      %cond3A_106 = arith.constant 0 : i32
      %cond3A_107 = arith.cmpi ne, %convert_element_type3A_105, %cond3A_106 : i32
      scf.if %cond3A_107 {
        %add3A_108 = arith.constant 3 : i32
        %add3A_109 = arith.addi %scan3A_61, %add3A_108 : i32
        %sub3A_110 = arith.constant 1 : i32
        %sub3A_111 = arith.subi %add3A_109, %sub3A_110 : i32
        %add3A_112 = arith.constant 3 : i32
        %add3A_113 = arith.addi %scan3A_61, %add3A_112 : i32
        %sub3A_114 = arith.constant 1 : i32
        %sub3A_115 = arith.subi %add3A_113, %sub3A_114 : i32
        %rem3A_116 = arith.constant 3 : i32
        %rem3A_117 = arith.remsi %sub3A_115, %rem3A_116 : i32
        %div3A_118 = arith.constant 8 : i32
        %div3A_119 = arith.divsi %sub3A_111, %div3A_118 : i32
        %rem3A_120 = arith.constant 8 : i32
        %rem3A_121 = arith.remsi %sub3A_111, %rem3A_120 : i32
        %mul3A_122 = arith.constant 64 : i32
        %mul3A_123 = arith.muli %rem3A_121, %mul3A_122 : i32
        %dma_start3A_124 = arith.constant 0 : i32
        %dma_start3A_125 = arith.constant 0 : i32
        %dma_start3A_126 = arith.constant 0 : i32
        %dma_start3A_127 = tpu.memref_slice %arg6[%rem3A_117, %dma_start3A_124, %dma_start3A_125, %dma_start3A_126] : memref<3x1x64x512xf32, #tpu.memory_space<vmem>> -> memref<1x1x64x512xf32, #tpu.memory_space<vmem>>
        %dma_start3A_128 = tpu.memref_squeeze %dma_start3A_127 : memref<1x1x64x512xf32, #tpu.memory_space<vmem>> -> memref<1x64x512xf32, #tpu.memory_space<vmem>>
        %dma_start3A_129 = arith.constant 0 : i32
        %dma_start3A_130 = tpu.memref_slice %arg5[%div3A_119, %dma_start3A_129] : memref<4x1xi32, #tpu.memory_space<vmem>> -> memref<1x1xi32, #tpu.memory_space<vmem>>
        %dma_start3A_131 = tpu.memref_squeeze %dma_start3A_130 : memref<1x1xi32, #tpu.memory_space<vmem>> -> memref<1xi32, #tpu.memory_space<vmem>>
        %dma_start3A_132 = arith.constant 0 : i32
        %dma_start3A_133 = arith.constant 0 : i32
        %dma_start3A_134 = tpu.memref_slice %arg2[%dma_start3A_132, %mul3A_123, %dma_start3A_133] : memref<256x512x512xf32, #tpu.memory_space<hbm>> -> memref<256x64x512xf32, #tpu.memory_space<hbm>>
        tpu.enqueue_indirect_dma source(%dma_start3A_134 : memref<256x64x512xf32, #tpu.memory_space<hbm>>) target(%dma_start3A_128 : memref<1x64x512xf32, #tpu.memory_space<vmem>>) offsets(%dma_start3A_131 : memref<1xi32, #tpu.memory_space<vmem>>) semaphore(%arg7 : memref<!tpu.dma_semaphore, #tpu.memory_space<semaphore_mem>>)
      } else {
      }
    }
    %scan3A_44 = arith.constant 32 : i32
    %dma_wait3A = arith.constant 0 : i32
    %dma_wait3A_45 = arith.constant 0 : i32
    %dma_wait3A_46 = arith.constant 0 : i32
    %dma_wait3A_47 = arith.constant 0 : i32
    %dma_wait3A_48 = tpu.memref_slice %arg6[%dma_wait3A, %dma_wait3A_45, %dma_wait3A_46, %dma_wait3A_47] : memref<3x1x64x512xf32, #tpu.memory_space<vmem>> -> memref<1x1x64x512xf32, #tpu.memory_space<vmem>>
    %dma_wait3A_49 = tpu.memref_squeeze %dma_wait3A_48 : memref<1x1x64x512xf32, #tpu.memory_space<vmem>> -> memref<1x64x512xf32, #tpu.memory_space<vmem>>
    %dma_wait3A_50 = arith.constant 0 : i32
    %dma_wait3A_51 = arith.constant 0 : i32
    %dma_wait3A_52 = tpu.memref_slice %arg4[%mul3A_2, %dma_wait3A_50, %dma_wait3A_51] : memref<128x512x512xf32, #tpu.memory_space<hbm>> -> memref<1x64x512xf32, #tpu.memory_space<hbm>>
    %dma_wait3A_53 = arith.constant 0 : i32
    %dma_wait3A_54 = arith.constant 0 : i32
    %dma_wait3A_55 = tpu.memref_slice %arg4[%mul3A_2, %dma_wait3A_53, %dma_wait3A_54] : memref<128x512x512xf32, #tpu.memory_space<hbm>> -> memref<1x64x512xf32, #tpu.memory_space<hbm>>
    %dma_wait3A_56 = arith.constant 0 : i32
    %dma_wait3A_57 = arith.constant 0 : i32
    %dma_wait3A_58 = arith.constant 0 : i32
    %dma_wait3A_59 = tpu.memref_slice %arg6[%dma_wait3A, %dma_wait3A_56, %dma_wait3A_57, %dma_wait3A_58] : memref<3x1x64x512xf32, #tpu.memory_space<vmem>> -> memref<1x1x64x512xf32, #tpu.memory_space<vmem>>
    %dma_wait3A_60 = tpu.memref_squeeze %dma_wait3A_59 : memref<1x1x64x512xf32, #tpu.memory_space<vmem>> -> memref<1x64x512xf32, #tpu.memory_space<vmem>>
    tpu.wait_dma2 semaphore(%arg8 : memref<!tpu.dma_semaphore, #tpu.memory_space<semaphore_mem>>) src(%dma_wait3A_60 : memref<1x64x512xf32, #tpu.memory_space<vmem>>) dst(%dma_wait3A_55 : memref<1x64x512xf32, #tpu.memory_space<hbm>>)
    return
  }
}

</mosaic_0001>

<sc_bundles>
// kernel: kernel.3.cloned.1.call-start
scs
__scs_entry_jumppad:
0x0: {  	(pc) =	sbr.rel $0x88, $3  }
0x1: {  	(tag) =	ssettag $0x0;
	lr =	simm.s32 $0x1  }
0x2: {  	[smem:$0x3F9F] =	sst lr;
	_ =	strace $0xD0000000  }
0x3: {  	_ = 	snop  }
0x4: {  	_ = 	snop  }
0x5: {  	_ = 	snop  }
0x6: {  	_ = 	snop  }
0x7: {  	_ = 	snop  }
__scs_overlays_trampoline_lowered:
0x8: {  	[smem:$0x3FAE] =	sst s0  }
0x9: {  	[smem:$0x3FAF] =	sst s1  }
0xa: {  	[smem:$0x3FB0] =	sst s2  }
0xb: {  	[smem:$0x3FB1] =	sst s3  }
0xc: {  	[smem:$0x3FB2] =	sst s4  }
0xd: {  	[smem:$0x3FB3] =	sst s5  }
0xe: {  	[smem:$0x3FB4] =	sst s6  }
0xf: {  	[smem:$0x3FB5] =	sst s7  }
0x10: {  	[smem:$0x3FB6] =	sst s8  }
0x11: {  	[smem:$0x3FB7] =	sst s9;
	s0 =	simm.s32 @!p0 $0x0  }
0x12: {  	s1 =	sld [smem:$0x3F9D];
	s0 =	simm.s32 @p0 $0x1  }
0x13: {  	[smem:$0x3FB8] =	sst s0;
	s0 =	simm.s32 @!p1 $0x0  }
0x14: {  	s2 =	sld [smem:$0x3F9C];
	s0 =	simm.s32 @p1 $0x1  }
0x15: {  	[smem:$0x3FB9] =	sst s0;
	s0 =	simm.s32 @!p2 $0x0  }
0x16: {  	s3 =	sld [smem:$0x3FDB];
	s0 =	simm.s32 @p2 $0x1  }
0x17: {  	s4 =	simm.s32 $0x1BF5;
	[smem:$0x3FBB] =	sst s0  }
0x18: {  	s0 =	sld [smem:$0x3F9E];
	_ =	swait.ge [sflag:s4], $0x0  }
0x19: {  	s7 =	sld [smem:$0x3F9F]  }
0x1a: {  	s8 =	sadd.s32 $0xFFFFE003, lr  }
0x1b: {  	s9 =	sadd.s32 $0xFFFFFEF7, lr;
	s5 =	simm.s32 $0xFFFFFFFF;
	p2 =	slt.u32 s8, $0xFFFFF086  }
0x1c: {  	p1 =	slt.u32 s9, $0xF7A;
	s5 =	simm.s32 @!p2 $0x0  }
0x1d: {  	s5 =	simm.s32 @p1 $0x1;
	p0 =	seq.s32 s7, s2  }
0x1e: {  	s7 =	smul.u32 @!p0 $0xF7A, s2;
	p2 =	seq.s32 @!p0 s5, $0x0  }
0x1f: {  	s9 =	smul.u32 $0xF7A, s1;
	s8 =	simm.s32 @!p0 $0x1BF5;
	p2 =	por !p2, p0  }
0x20: {  	[sflag:s8] =	ssyncset.s32 @!p0 $0xFFFFF086;
	s6 =	sadd.s32 @!p0 s3, s7;
	s7 =	simm.s32 @!p0 $0x108  }
0x21: {  	s3 =	sadd.s32 s3, s9;
	s6 =	sadd.s32 @!p0 $0x88, s6;
	s7 =	simm.s32 @p2 $0x1082  }
0x22: {  	[simem:s7], [sflag:s8] =	dma.local @!p0 [hbm:s6], $0xF7A  }
0x23: {  	s9 =	sor.u32 $0xD0000000, s2;
	s6 =	simm.s32 $0x108;
	_ =	swait.ge @!p0 [sflag:s8], $0x0  }
0x24: {  	s3 =	sadd.s32 $0x88, s3;
	s6 =	simm.s32 @!p1 $0x1082;
	[sflag:s4] =	ssyncset.s32 $0xFFFFF086  }
0x25: {  	[simem:s6], [sflag:s4] =	dma.local [hbm:s3], $0xF7A  }
0x26: {  	[smem:$0x3F9F] =	sst s1;
	(tag) =	ssettag s2;
	_ =	strace s9  }
0x27: {  	s1 =	sld [smem:$0x3FAF]  }
0x28: {  	s2 =	sld [smem:$0x3FB0]  }
0x29: {  	s4 =	sld [smem:$0x3FB2]  }
0x2a: {  	p0 =	seq.s32 s5, $0x0;
	s5 =	sld [smem:$0x3FB3]  }
0x2b: {  	s6 =	sld [smem:$0x3FB4]  }
0x2c: {  	s7 =	sld [smem:$0x3FB5]  }
0x2d: {  	s3 =	simm.s32 $0x108;
	s8 =	sld [smem:$0x3FB6]  }
0x2e: {  	s3 =	simm.s32 @!p0 $0x1082;
	s9 =	sld [smem:$0x3FB7]  }
0x2f: {  	lr =	sadd.s32 s0, s3;
	s0 =	sld [smem:$0x3FAE]  }
0x30: {  	s3 =	sld [smem:$0x3FB1]  }
0x31: {  	[smem:$0x3FBA] =	sst s10  }
0x32: {  	s10 =	sld [smem:$0x3FB8];
	_ =	sdelay $0x3  }
0x33: {  	p0 =	seq.s32 s10, $0x1;
	s10 =	sld [smem:$0x3FBA];
	_ =	sdelay $0x3  }
0x34: {  	[smem:$0x3FBA] =	sst s10  }
0x35: {  	s10 =	sld [smem:$0x3FB9];
	_ =	sdelay $0x3  }
0x36: {  	p1 =	seq.s32 s10, $0x1;
	s10 =	sld [smem:$0x3FBA];
	_ =	sdelay $0x3  }
0x37: {  	[smem:$0x3FBA] =	sst s10  }
0x38: {  	s10 =	sld [smem:$0x3FBB]  }
0x39: {  	_ = 	snop;
	(pc) =	sbr.ind lr, $3  }
0x3a: {  	_ = 	snop  }
0x3b: {  	_ = 	snop  }
0x3c: {  	p2 =	seq.s32 s10, $0x1;
	s10 =	sld [smem:$0x3FBA]  }
0x3d: {  	_ =	shalt  }
0x3e: {  	_ =	shalt  }
0x3f: {  	_ =	shalt  }
0x40: {  	_ =	shalt  }
0x41: {  	_ =	shalt  }
0x42: {  	_ =	shalt  }
0x43: {  	_ =	shalt  }
0x44: {  	_ =	shalt  }
0x45: {  	_ =	shalt  }
0x46: {  	_ =	shalt  }
0x47: {  	_ =	shalt  }
0x48: {  	_ =	shalt  }
0x49: {  	_ =	shalt  }
0x4a: {  	_ =	shalt  }
0x4b: {  	_ =	shalt  }
0x4c: {  	_ =	shalt  }
0x4d: {  	_ =	shalt  }
0x4e: {  	_ =	shalt  }
0x4f: {  	_ =	shalt  }
0x50: {  	_ =	shalt  }
0x51: {  	_ =	shalt  }
0x52: {  	_ =	shalt  }
0x53: {  	_ =	shalt  }
0x54: {  	_ =	shalt  }
0x55: {  	_ =	shalt  }
0x56: {  	_ =	shalt  }
0x57: {  	_ =	shalt  }
0x58: {  	_ =	shalt  }
0x59: {  	_ =	shalt  }
0x5a: {  	_ =	shalt  }
0x5b: {  	_ =	shalt  }
0x5c: {  	_ =	shalt  }
0x5d: {  	_ =	shalt  }
0x5e: {  	_ =	shalt  }
0x5f: {  	_ =	shalt  }
0x60: {  	_ =	shalt  }
0x61: {  	_ =	shalt  }
0x62: {  	_ =	shalt  }
0x63: {  	_ =	shalt  }
0x64: {  	_ =	shalt  }
0x65: {  	_ =	shalt  }
0x66: {  	_ =	shalt  }
0x67: {  	_ =	shalt  }
0x68: {  	_ =	shalt  }
0x69: {  	_ =	shalt  }
0x6a: {  	_ =	shalt  }
0x6b: {  	_ =	shalt  }
0x6c: {  	_ =	shalt  }
0x6d: {  	_ =	shalt  }
0x6e: {  	_ =	shalt  }
0x6f: {  	_ =	shalt  }
0x70: {  	_ =	shalt  }
0x71: {  	_ =	shalt  }
0x72: {  	_ =	shalt  }
0x73: {  	_ =	shalt  }
0x74: {  	_ =	shalt  }
0x75: {  	_ =	shalt  }
0x76: {  	_ =	shalt  }
0x77: {  	_ =	shalt  }
0x78: {  	_ =	shalt  }
0x79: {  	_ =	shalt  }
0x7a: {  	_ =	shalt  }
0x7b: {  	_ =	shalt  }
0x7c: {  	_ =	shalt  }
0x7d: {  	_ =	shalt  }
0x7e: {  	_ =	shalt  }
0x7f: {  	_ =	shalt  }
0x80: {  	_ =	shalt  }
0x81: {  	_ =	shalt  }
0x82: {  	_ =	shalt  }
0x83: {  	_ =	shalt  }
0x84: {  	_ =	shalt  }
0x85: {  	_ =	shalt  }
0x86: {  	_ =	shalt  }
0x87: {  	_ =	shalt  }
.Lfunc_end0:
.L_simem_size_0:
called_computation_lowered:
.L_overlay_start_0:
0x88: {  	s2 =	sld [smem:$0x3FD9]  }
0x89: {  	s3 =	sld [smem:$0x3FFE];
	_ =	sdelay $0x1  }
0x8a: {  	s1 =	srdreg.scid  }
0x8b: {  	s0 =	sand.u32 $0x1, s1  }
0x8c: {  	s17 =	sshll.u32 s0, $0xA;
	s2 =	sadd.s32 s3, s2  }
0x8d: {  	s2 =	sadd.s32 s2, s17  }
0x8e: {  	[smem:$0x3FC6] =	sst s2  }
0x8f: {  	_ = 	snop  }
0x90: {  	s2 =	sld [smem:$0x3FC9]  }
0x91: {  	s18 =	sld [smem:$0x3FD0];
	(tm) =	ssettm $0x1  }
0x92: {  	s4 =	sld [smem:$0x3FFB];
	_ =	sdelay $0x3  }
0x93: {  	_ =	strace s4  }
0x94: {  	s4 =	sld [smem:$0x3FFC];
	_ =	sdelay $0x3  }
0x95: {  	_ =	strace s4  }
0x96: {  	s4 =	sld [smem:$0x3FFD];
	_ =	sdelay $0x3  }
0x97: {  	_ =	strace s4  }
0x98: {  	_ =	strace $0x8FFFFFFF  }
0x99: {  	s19 =	sld [smem:$0x3FDB];
	_ =	sdelay $0x1  }
0x9a: {  	s5 =	simm.s32 $_scs_section_size  }
0x9b: {  	s6 =	simm.s32 $_size__tile_overlayer_lowered;
	s7 =	simm.s32 $_tile_overlayer_lowered  }
0x9c: {  	s22 =	simm.s32 $0x1BFF;
	s21 =	sshll.u32 s7, $0x1;
	s4 =	sadd.s32 s5, s19  }
0x9d: {  	s8 =	simm.s32 $0x0;
	s20 =	sshll.u32 s6, $0x1;
	s6 =	sadd.s32 s21, s4  }
0x9e: {  	[timem:s8], [sflag:s22] =	dma.local [hbm:s6], s20  }
0x9f: {  	_ =	swait.ge [sflag:s22], s20  }
0xa0: {  	s5 =	ssub.s32 $0x0, s20;
	[sflag:s22] =	ssyncset.done $0x0  }
0xa1: {  	[sflag:s22] =	ssyncadd.s32 s5;
	_ =	sdelay $0x1  }
0xa2: {  	s23 =	simm.s32 $0x1B8B  }
0xa3: {  	_ =	swait.ge [sflag:s23], $0x1  }
0xa4: {  	[sflag:s23] =	ssyncset.done $0x0  }
0xa5: {  	s25 =	simm.s32 $0x1B8E;
	s24 =	sld [smem:$0x3FFE];
	[sflag:s23] =	ssyncadd.s32 $0xFFFFFFFF  }
0xa6: {  	s26 =	simm.s32 $execute0_lowered;
	[smem:$0x3FD2] =	sst s25  }
0xa7: {  	s6 =	sshll.u32 s26, $0x1;
	_ =	strace $0x80000046;
	[dreg:$0x1] =	wrdreg $0xFFFFFFFF  }
0xa8: {  	s28 =	simm.s32 $_size_execute0_lowered;
	s4 =	sadd.s32 s4, s6;
	[dreg:$0x0] =	wrdreg $0x0  }
0xa9: {  	s6 =	sshll.u32 s28, $0x1;
	[dreg:$0x2] =	wrdreg s4  }
0xaa: {  	[dreg:$0x3] =	wrdreg s6  }
0xab: {  	[dreg:$0x4] =	wrdreg $0xC0  }
0xac: {  	_ =	task [dreg:s8], $0x5FFFF  }
0xad: {  	[dreg:$0x1] =	wrdreg $0xFFFFFFFF  }
0xae: {  	[dreg:$0x0] =	wrdreg $0x60  }
0xaf: {  	[dreg:$0x2] =	wrdreg s2  }
0xb0: {  	[dreg:$0x3] =	wrdreg s24  }
0xb1: {  	[dreg:$0x4] =	wrdreg s18  }
0xb2: {  	[dreg:$0x5] =	wrdreg $0x9  }
0xb3: {  	_ =	task.clear_ibuf [dreg:s8], $0x6FFFF;
	_ =	strace $0x90000046  }
0xb4: {  	s29 =	simm.s32 $0x9;
	_ =	strace $0x80000048  }
0xb5: {  	_ =	swait.ge [sflag:s29], $0x1  }
0xb6: {  	[sflag:s29] =	ssyncadd.s32 $0xFFFFFFFF  }
0xb7: {  	_ =	strace $0x90000048  }
0xb8: {  	_ =	sfence  }
0xb9: {  	s30 =	sld [smem:$0x0];
	_ =	sdelay $0x2  }
0xba: {  	s31 =	sshll.u32 s1, $0xD;
	s1 =	sshrl.u32 s1, $0x2  }
0xbb: {  	s3 =	sand.u32 $0x4000, s31;
	s1 =	sadd.s32 s1, s30  }
0xbc: {  	s0 =	sor.u32 s3, s0;
	s1 =	sshll.u32 s1, $0x11  }
0xbd: {  	s0 =	sor.u32 s1, s0  }
0xbe: {  	s0 =	sadd.s32 $0x8F2B, s0  }
0xbf: {  	[sflag:s0] =	ssyncadd.remote.s32 $0x1  }
0xc0: {  	_ =	sfence.sel $0xFFFF  }
0xc1: {  	[dreg:$0x0] =	wrdreg $0xFFFFFFFF;
	(pc) =	sbr.abs _section_cstart, $3  }
0xc2: {  	[dreg:$0x1] =	wrdreg $0xFFFFFFFF  }
0xc3: {  	_ =	task.clear_ibuf [dreg:s8], $0x2FFFF;
	_ =	strace $0x9FFFFFFF  }
0xc4: {  	(tm) =	ssettm $0x7FFFFFFF  }
0xc5: {  	_ =	shalt  }
tec
execute0_lowered:
.L_overlay_start_1:
0x0: {  	(tag) =	ssettag $0x1  }
0x1: {  	s1 =	rddreg [dreg:$0x0]  }
0x2: {  	s4 =	rddreg [dreg:$0x1]  }
0x3: {  	s2 =	rddreg [dreg:$0x2]  }
0x4: {  	s0 =	rddreg [dreg:$0x3];
	s3 =	simm.s32 $0x0  }
0x5: {  	s5 =	srdreg.scid;
	s11 =	simm.s32 $0x8200;
	s12 =	simm.s32 $0x1  }
0x6: {  	s13 =	simm.s32 $0x2;
	[smem:$0x7FF] =	sst s3;
	s5 =	sand.u32 $0x1, s5  }
0x7: {  	s14 =	simm.s32 $0x0;
	_ =	strace $0x80000047;
	s6 =	sshll.u32 s5, $0x6  }
0x8: {  	s7 =	ssub.s32 $0x2, s5;
	s6 =	sadd.s32 s6, s4;
	s4 =	stileid.u32  }
0x9: {  	s5 =	sshll.u32 s5, $0x2;
	s8 =	sshrl.u32 s7, $0x1;
	s9 =	sshll.u32 s4, $0x3  }
0xa: {  	s10 =	sshll.u32 s4, $0x7;
	s8 =	ssub.s32 s7, s8;
	s7 =	sadd.s32 $0x1000, s1  }
0xb: {  	s5 =	sor.u32 s5, s9;
	s6 =	sadd.s32 s10, s6;
	s8 =	smax.u32 s8, $0x1  }
0xc: {  	vm0 =	vmmov $0x1;
	v0 =	vlaneseq.u32;
	s9 =	simm.s32 $0x3;
	s10 =	simm.s32 $0x200;
	s6 =	sadd.s32 $0x400, s6  }
.LBB2_1:
0xd: {  	[tilespmem:s3], [sflag:$0x3] =	stream.linear.gather [hbm4b:s6+s3], $0x200, $0x38;
	[tilespmem:$0x18200] =	vst v63  }
0xe: {  	_ =	swait.ge [sflag:s9], $0x200  }
0xf: {  	[sflag:s9] =	ssyncset.done $0x0  }
0x10: {  	[sflag:s9] =	ssyncadd.s32 $0xFFFFFE00  }
0x11: {  	v1 =	vld.msk [tilespmem:$0x0], $0x1;
	_ =	sdelay $0x4  }
0x12: {  	v1 =	vshll.u32 v1, $0x12  }
0x13: {  	v1 =	vperm.xlane v1, v0;
	_ =	sdelay $0x5  }
0x14: {  	[tilespmem:s10], [sflag:$0x1] =	stream.indirect_vreg.gather [hbm4b:s1+s3], $0x8000, v1, vm0, $0x38;
	[tilespmem:$0x18200] =	vst v63  }
0x15: {  	v1 =	vld.msk [tilespmem:$0x0], $0x1;
	_ =	sdelay $0x4  }
0x16: {  	v1 =	vshll.u32 v1, $0x12  }
0x17: {  	v1 =	vperm.xlane v1, v0;
	_ =	sdelay $0x4  }
0x18: {  	s15 =	simm.s32 $0x2000;
	s16 =	simm.s32 $0x80;
	s17 =	simm.s32 $0x0  }
0x19: {  	[tilespmem:s11], [sflag:$0x1] =	stream.indirect_vreg.gather [hbm4b:s7+s3], $0x8000, v1, vm0, $0x38;
	[tilespmem:$0x18200] =	vst v63  }
.LBB2_2:
0x1a: {  	s18 =	smul.u32 $0xAB, s17;
	_ =	sdelay $0x1  }
0x1b: {  	s18 =	sshrl.u32 s18, $0x9  }
0x1c: {  	s18 =	sand.u32 $0x7F, s18  }
0x1d: {  	s18 =	smul.u32 $0x3, s18  }
0x1e: {  	_ =	swait.ge [sflag:s12], $0x8000;
	s19 =	sshrl.u32 s17, $0x3;
	s20 =	sadd.s32 $0xFFFFE000, s15  }
0x1f: {  	p0 =	seq.s32 s17, $0x0;
	[sflag:s12] =	ssyncset.done $0x0;
	s18 =	ssub.s32 s17, s18  }
0x20: {  	s19 =	sadd.s32 s5, s19;
	s20 =	sand.u32 $0x7000, s20;
	s18 =	sand.u32 $0xFF, s18  }
0x21: {  	s19 =	sshll.u32 s19, $0xF;
	s20 =	sadd.s32 s2, s20;
	s18 =	sshll.u32 s18, $0xF  }
0x22: {  	[sflag:s12] =	ssyncadd.s32 $0xFFFF8000;
	s19 =	sadd.s32 s19, s20;
	s18 =	sor.u32 $0x200, s18  }
0x23: {  	[hbm4b:s19+s3] =	stream.linear.scatter [tilespmem:s18], [sflag:$0x2], $0x8000, $0x38;
	[tilespmem:$0x18200] =	vst v63  }
0x24: {  	s18 =	simm.s32 @!p0 $0x2  }
0x25: {  	p1 =	sgt.u32 @!p0 s17, $0x1D;
	_ =	swait.ge @!p0 [sflag:s18], $0x8000  }
0x26: {  	p1 =	por p0, !p1;
	[sflag:s18] =	ssyncset.done @!p0 $0x0  }
0x27: {  	[sflag:s18] =	ssyncadd.s32 @!p0 $0xFFFF8000;
	s18 =	sand.u32 @p1 $0xE00, s16  }
0x28: {  	s18 =	sshrl.u32 @p1 s18, $0x2  }
0x29: {  	v1 =	vld.msk @p1 [tilespmem:s18+$0x0], $0x1  }
0x2a: {  	s18 =	sadd.s32 @p1 $0x2, s17  }
0x2b: {  	s19 =	smul.u32 @p1 $0xAB, s18;
	_ =	sdelay $0x1  }
0x2c: {  	s19 =	sshrl.u32 @p1 s19, $0x9  }
0x2d: {  	s19 =	sand.u32 @p1 $0x7F, s19;
	v1 =	vshll.u32 @p1 v1, $0x12  }
0x2e: {  	s17 =	sadd.s32 $0x1, s17;
	s19 =	smul.u32 @p1 $0x3, s19;
	v1 =	vperm.xlane @p1 v1, v0  }
0x2f: {  	p0 =	sne.s32 s17, $0x20  }
.Ltmp0:
0x30: {  	s18 =	ssub.s32 @p1 s18, s19;
	(pc) =	sbr.rel @p0 .LBB2_2-.Ltmp0, $4  }
0x31: {  	s18 =	sand.u32 @p1 $0xFF, s18  }
0x32: {  	s16 =	sadd.s32 $0x40, s16;
	s19 =	sand.u32 @p1 $0x7000, s15;
	s18 =	sshll.u32 @p1 s18, $0xF  }
0x33: {  	s15 =	sadd.s32 $0x1000, s15;
	s19 =	sadd.s32 @p1 s1, s19;
	s18 =	sor.u32 @p1 $0x200, s18  }
0x34: {  	[tilespmem:s18], [sflag:$0x1] =	stream.indirect_vreg.gather @p1 [hbm4b:s19+s3], $0x8000, v1, vm0, $0x38;
	[tilespmem:$0x18200] =	vst v63  }
0x35: {  	s14 =	sadd.s32 $0x1, s14  }
0x36: {  	p0 =	sne.s32 s14, s8  }
.Ltmp1:
0x37: {  	_ = 	snop;
	(pc) =	sbr.rel @p0 .LBB2_1-.Ltmp1, $4  }
0x38: {  	_ = 	snop  }
0x39: {  	_ =	swait.ge [sflag:s13], $0x8000  }
0x3a: {  	[sflag:s13] =	ssyncset.done $0x0  }
0x3b: {  	[sflag:s13] =	ssyncadd.s32 $0xFFFF8000  }
0x3c: {  	_ =	sfence.sel $0x180000  }
0x3d: {  	[bflag:$0x0] =	sbarrier.arrive $0xFFFF  }
0x3e: {  	p0 =	sne.s32 s4, $0x0;
	_ =	strace $0x90000047  }
0x3f: {  	s0 =	sadd.s32 @!p0 $0x100000, s0;
	[bflag:$0x2] =	sbarrier.arrive $0xFFFF  }
0x40: {  	[sflag:s0] =	ssyncadd.tile.s32 @!p0 $0x1;
	_ =	shalt  }
.Lfunc_end2:
_tile_overlayer_lowered:
.L_overlay_start_2:
0x41: {  	(tag) =	ssettag $0x2  }
0x42: {  	s0 =	rddreg [dreg:$0x0];
	s2 =	stileid.u32  }
0x43: {  	s1 =	rddreg [dreg:$0x1];
	p0 =	sne.s32 s2, $0x0  }
0x44: {  	s3 =	rddreg [dreg:$0x2];
	[bflag:$0x3] =	sbarrier.arrive $0xFFFF;
	s2 =	simm.s32 @!p0 $0x1C03  }
0x45: {  	[timem:s3], [sflag:s2] =	dma.local @!p0 [hbm:s0], s1  }
0x46: {  	s0 =	simm.s32 @!p0 $0x3  }
0x47: {  	_ =	swait.ge @!p0 [sflag:s0], s1  }
0x48: {  	s1 =	ssub.s32 @!p0 $0x0, s1;
	[sflag:s0] =	ssyncset.done @!p0 $0x0  }
0x49: {  	[sflag:s0] =	ssyncadd.s32 @!p0 s1  }
0x4a: {  	[bflag:$0x3] =	sbarrier.arrive $0xFFFF  }
0x4b: {  	_ =	shalt  }

</sc_bundles>
